<compile_context>
chip_gen: v7x
topology: tpu7x:2x2x1
jax: 0.10.2.dev20260603
libtpu: 0.0.44.dev20260713+nightly
codegen_flags: <defaults>
</compile_context>

<pallas_src>
import functools

import jax
import jax.numpy as jnp
from jax import lax
from jax.experimental import pallas as pl
from jax.experimental.pallas import tpu as pltpu
from jax.experimental.pallas import tpu_sc as plsc

DIM = 128
MARGIN = 1.0


def _transe_body(pos_hbm, neg_hbm, table_hbm, out_hbm,
                 pos_i, neg_i, rows_p, rows_n, out_v, sem_p, sem_n):
    cp_p = pltpu.make_async_copy(pos_hbm, pos_i, sem_p)
    cp_n = pltpu.make_async_copy(neg_hbm, neg_i, sem_n)
    cp_p.start()
    cp_n.start()
    cp_p.wait()
    g_p = pltpu.make_async_copy(table_hbm.at[pos_i], rows_p, sem_p)
    g_p.start()
    cp_n.wait()
    g_n = pltpu.make_async_copy(table_hbm.at[neg_i], rows_n, sem_n)
    g_n.start()
    g_p.wait()
    g_n.wait()
    d = jnp.zeros((16,), jnp.float32)
    for j in range(DIM // 16):
        sl = pl.ds(j * 16, 16)
        d = d + jnp.abs(rows_p[0, sl] + rows_p[1, sl] - rows_p[2, sl])
        d = d - jnp.abs(rows_n[0, sl] + rows_n[1, sl] - rows_n[2, sl])
    lane = lax.iota(jnp.int32, 16)
    for sh in (8, 4, 2, 1):
        d = d + d.at[lane ^ sh].get(mode="promise_in_bounds")
    out_v[...] = jnp.maximum(d + MARGIN, 0.0)
    pltpu.sync_copy(out_v.at[pl.ds(0, 1)], out_hbm)


@jax.jit
def kernel(pos_exmpl, neg_exmpl, embeddings):
    mesh = plsc.VectorSubcoreMesh(core_axis_name="c", subcore_axis_name="s",
                                  num_cores=1, num_subcores=1)
    run = functools.partial(
        pl.kernel,
        mesh=mesh,
        out_type=jax.ShapeDtypeStruct((1,), jnp.float32),
        scratch_types=[
            pltpu.VMEM((3,), jnp.int32),
            pltpu.VMEM((3,), jnp.int32),
            pltpu.VMEM((3, DIM), jnp.float32),
            pltpu.VMEM((3, DIM), jnp.float32),
            pltpu.VMEM((16,), jnp.float32),
            pltpu.SemaphoreType.DMA,
            pltpu.SemaphoreType.DMA,
        ],
    )(_transe_body)
    out = run(pos_exmpl.astype(jnp.int32), neg_exmpl.astype(jnp.int32),
              embeddings)
    return out.reshape(())

# --- scband reference (transcript-rebuilt; emitter-appended) ---
"""Pipeline reference for scband-trans-e-15796889715364 (READ-ONLY COPY).

The authoritative reference and input builder live on the scoring server;
editing this copy changes nothing except your own understanding.
"""

import jax, jax.numpy as jnp
import numpy as np

VOCAB = 1000000
DIM = 128
MARGIN = 1.0

def setup_inputs(seed: int = 0) -> dict:
    key = jax.random.key(seed)
    k1, k2, k3 = jax.random.split(key, 3)
    pos_exmpl = jax.random.randint(k1, (3,), 0, VOCAB, dtype=jnp.int64) if jax.config.jax_enable_x64 else jax.random.randint(k1, (3,), 0, VOCAB, dtype=jnp.int32)
    neg_exmpl = jax.random.randint(k2, (3,), 0, VOCAB, dtype=jnp.int64) if jax.config.jax_enable_x64 else jax.random.randint(k2, (3,), 0, VOCAB, dtype=jnp.int32)
    embeddings = jax.random.normal(k3, (VOCAB, DIM), dtype=jnp.float32)
    return {"pos_exmpl": pos_exmpl, "neg_exmpl": neg_exmpl, "embeddings": embeddings}

def _calc_score(h_emb, r_emb, t_emb):
    return jnp.sum(jnp.abs(h_emb + r_emb - t_emb))

def reference(pos_exmpl, neg_exmpl, embeddings):
    # embedding lookups: gather rows from the table (SparseCore-friendly)
    pos_h_emb = jnp.take(embeddings, pos_exmpl[0], axis=0)[None, :]
    pos_r_emb = jnp.take(embeddings, pos_exmpl[1], axis=0)[None, :]
    pos_t_emb = jnp.take(embeddings, pos_exmpl[2], axis=0)[None, :]
    neg_h_emb = jnp.take(embeddings, neg_exmpl[0], axis=0)[None, :]
    neg_r_emb = jnp.take(embeddings, neg_exmpl[1], axis=0)[None, :]
    neg_t_emb = jnp.take(embeddings, neg_exmpl[2], axis=0)[None, :]
    pos_score = _calc_score(pos_h_emb, pos_r_emb, pos_t_emb)
    neg_score = _calc_score(neg_h_emb, neg_r_emb, neg_t_emb)
    # MarginRankingLoss with y = -1, sum reduction:
    # loss = sum(max(0, -y*(x1 - x2) + margin)) = max(0, (pos - neg) + margin)
    loss = jnp.sum(jnp.maximum(0.0, (pos_score - neg_score) + MARGIN))
    return loss

if __name__ == "__main__":
    import jax
    _d = setup_inputs()
    print(jax.jit(kernel)(*tuple(_d.values())))

</pallas_src>

<mosaic_0001>
#map = affine_map<(d0, d1) -> (0)>
#map1 = affine_map<(d0, d1) -> (0, 0)>
module attributes {stable_mosaic.version = 14 : i64} {
  func.func @_transe_body(%arg0: i32, %arg1: i32, %arg2: memref<3xi32, #tpu.memory_space<hbm>>, %arg3: memref<3xi32, #tpu.memory_space<hbm>>, %arg4: memref<1000000x128xf32, #tpu.memory_space<hbm>>, %arg5: memref<1xf32, #tpu.memory_space<hbm>>, %arg6: memref<3xi32, #tpu.memory_space<vmem>>, %arg7: memref<3xi32, #tpu.memory_space<vmem>>, %arg8: memref<3x128xf32, #tpu.memory_space<vmem>>, %arg9: memref<3x128xf32, #tpu.memory_space<vmem>>, %arg10: memref<16xf32, #tpu.memory_space<vmem>>, %arg11: memref<!tpu.dma_semaphore, #tpu.memory_space<semaphore_mem>>, %arg12: memref<!tpu.dma_semaphore, #tpu.memory_space<semaphore_mem>>) attributes {dimension_semantics = [#tpu.dimension_semantics<core_parallel>, #tpu.dimension_semantics<subcore_parallel>], iteration_bounds = array<i64: 1, 1>, scalar_prefetch = 0 : i64, scratch_operands = 7 : i64, tpu.core_type = #tpu.core_type<sc_vector_subcore>, window_params = [{transform_indices = #map}, {transform_indices = #map}, {transform_indices = #map1}, {transform_indices = #map}]} {
    tpu.enqueue_dma source(%arg2 : memref<3xi32, #tpu.memory_space<hbm>>) target(%arg6 : memref<3xi32, #tpu.memory_space<vmem>>) target_semaphore(%arg11 : memref<!tpu.dma_semaphore, #tpu.memory_space<semaphore_mem>>)
    tpu.enqueue_dma source(%arg3 : memref<3xi32, #tpu.memory_space<hbm>>) target(%arg7 : memref<3xi32, #tpu.memory_space<vmem>>) target_semaphore(%arg12 : memref<!tpu.dma_semaphore, #tpu.memory_space<semaphore_mem>>)
    tpu.wait_dma2 semaphore(%arg11 : memref<!tpu.dma_semaphore, #tpu.memory_space<semaphore_mem>>) src(%arg2 : memref<3xi32, #tpu.memory_space<hbm>>) dst(%arg6 : memref<3xi32, #tpu.memory_space<vmem>>)
    %dma_start3A = arith.constant 0 : i32
    %dma_start3A_0 = arith.constant 0 : i32
    %dma_start3A_1 = tpu.memref_slice %arg4[%dma_start3A, %dma_start3A_0] : memref<1000000x128xf32, #tpu.memory_space<hbm>> -> memref<1000000x128xf32, #tpu.memory_space<hbm>>
    tpu.enqueue_indirect_dma source(%dma_start3A_1 : memref<1000000x128xf32, #tpu.memory_space<hbm>>) target(%arg8 : memref<3x128xf32, #tpu.memory_space<vmem>>) offsets(%arg6 : memref<3xi32, #tpu.memory_space<vmem>>) semaphore(%arg11 : memref<!tpu.dma_semaphore, #tpu.memory_space<semaphore_mem>>)
    tpu.wait_dma2 semaphore(%arg12 : memref<!tpu.dma_semaphore, #tpu.memory_space<semaphore_mem>>) src(%arg3 : memref<3xi32, #tpu.memory_space<hbm>>) dst(%arg7 : memref<3xi32, #tpu.memory_space<vmem>>)
    %dma_start3A_2 = arith.constant 0 : i32
    %dma_start3A_3 = arith.constant 0 : i32
    %dma_start3A_4 = tpu.memref_slice %arg4[%dma_start3A_2, %dma_start3A_3] : memref<1000000x128xf32, #tpu.memory_space<hbm>> -> memref<1000000x128xf32, #tpu.memory_space<hbm>>
    tpu.enqueue_indirect_dma source(%dma_start3A_4 : memref<1000000x128xf32, #tpu.memory_space<hbm>>) target(%arg9 : memref<3x128xf32, #tpu.memory_space<vmem>>) offsets(%arg7 : memref<3xi32, #tpu.memory_space<vmem>>) semaphore(%arg12 : memref<!tpu.dma_semaphore, #tpu.memory_space<semaphore_mem>>)
    %dma_wait3A = arith.constant 0 : i32
    %dma_wait3A_5 = arith.constant 0 : i32
    %dma_wait3A_6 = tpu.memref_slice %arg4[%dma_wait3A, %dma_wait3A_5] : memref<1000000x128xf32, #tpu.memory_space<hbm>> -> memref<1000000x128xf32, #tpu.memory_space<hbm>>
    tpu.wait_indirect_dma semaphore(%arg11 : memref<!tpu.dma_semaphore, #tpu.memory_space<semaphore_mem>>) src(%dma_wait3A_6 : memref<1000000x128xf32, #tpu.memory_space<hbm>>) dst(%arg8 : memref<3x128xf32, #tpu.memory_space<vmem>>)
    %dma_wait3A_7 = arith.constant 0 : i32
    %dma_wait3A_8 = arith.constant 0 : i32
    %dma_wait3A_9 = tpu.memref_slice %arg4[%dma_wait3A_7, %dma_wait3A_8] : memref<1000000x128xf32, #tpu.memory_space<hbm>> -> memref<1000000x128xf32, #tpu.memory_space<hbm>>
    tpu.wait_indirect_dma semaphore(%arg12 : memref<!tpu.dma_semaphore, #tpu.memory_space<semaphore_mem>>) src(%dma_wait3A_9 : memref<1000000x128xf32, #tpu.memory_space<hbm>>) dst(%arg9 : memref<3x128xf32, #tpu.memory_space<vmem>>)
    %broadcast_in_dim3A = arith.constant 0.000000e+00 : f32
    %broadcast_in_dim3A_10 = vector.broadcast %broadcast_in_dim3A : f32 to vector<16xf32>
    %get3A = arith.constant 0 : i32
    %get3A_11 = arith.index_cast %get3A : i32 to index
    %get3A_12 = arith.constant 0 : index
    %get3A_13 = tpu.vector_load %arg8[%get3A_11, %get3A_12] {strides = array<i32>} : memref<3x128xf32, #tpu.memory_space<vmem>>, vector<1x16xf32>,
    %get3A_14 = vector.shape_cast %get3A_13 : vector<1x16xf32> to vector<16xf32>
    %get3A_15 = arith.constant 1 : i32
    %get3A_16 = arith.index_cast %get3A_15 : i32 to index
    %get3A_17 = arith.constant 0 : index
    %get3A_18 = tpu.vector_load %arg8[%get3A_16, %get3A_17] {strides = array<i32>} : memref<3x128xf32, #tpu.memory_space<vmem>>, vector<1x16xf32>,
    %get3A_19 = vector.shape_cast %get3A_18 : vector<1x16xf32> to vector<16xf32>
    %add3A = arith.addf %get3A_14, %get3A_19 : vector<16xf32>
    %get3A_20 = arith.constant 2 : i32
    %get3A_21 = arith.index_cast %get3A_20 : i32 to index
    %get3A_22 = arith.constant 0 : index
    %get3A_23 = tpu.vector_load %arg8[%get3A_21, %get3A_22] {strides = array<i32>} : memref<3x128xf32, #tpu.memory_space<vmem>>, vector<1x16xf32>,
    %get3A_24 = vector.shape_cast %get3A_23 : vector<1x16xf32> to vector<16xf32>
    %sub3A = arith.subf %add3A, %get3A_24 : vector<16xf32>
    %abs3A = math.absf %sub3A : vector<16xf32>
    %add3A_25 = arith.addf %broadcast_in_dim3A_10, %abs3A : vector<16xf32>
    %get3A_26 = arith.constant 0 : i32
    %get3A_27 = arith.index_cast %get3A_26 : i32 to index
    %get3A_28 = arith.constant 0 : index
    %get3A_29 = tpu.vector_load %arg9[%get3A_27, %get3A_28] {strides = array<i32>} : memref<3x128xf32, #tpu.memory_space<vmem>>, vector<1x16xf32>,
    %get3A_30 = vector.shape_cast %get3A_29 : vector<1x16xf32> to vector<16xf32>
    %get3A_31 = arith.constant 1 : i32
    %get3A_32 = arith.index_cast %get3A_31 : i32 to index
    %get3A_33 = arith.constant 0 : index
    %get3A_34 = tpu.vector_load %arg9[%get3A_32, %get3A_33] {strides = array<i32>} : memref<3x128xf32, #tpu.memory_space<vmem>>, vector<1x16xf32>,
    %get3A_35 = vector.shape_cast %get3A_34 : vector<1x16xf32> to vector<16xf32>
    %add3A_36 = arith.addf %get3A_30, %get3A_35 : vector<16xf32>
    %get3A_37 = arith.constant 2 : i32
    %get3A_38 = arith.index_cast %get3A_37 : i32 to index
    %get3A_39 = arith.constant 0 : index
    %get3A_40 = tpu.vector_load %arg9[%get3A_38, %get3A_39] {strides = array<i32>} : memref<3x128xf32, #tpu.memory_space<vmem>>, vector<1x16xf32>,
    %get3A_41 = vector.shape_cast %get3A_40 : vector<1x16xf32> to vector<16xf32>
    %sub3A_42 = arith.subf %add3A_36, %get3A_41 : vector<16xf32>
    %abs3A_43 = math.absf %sub3A_42 : vector<16xf32>
    %sub3A_44 = arith.subf %add3A_25, %abs3A_43 : vector<16xf32>
    %get3A_45 = arith.constant 0 : i32
    %get3A_46 = arith.index_cast %get3A_45 : i32 to index
    %get3A_47 = arith.constant 16 : index
    %get3A_48 = tpu.vector_load %arg8[%get3A_46, %get3A_47] {strides = array<i32>} : memref<3x128xf32, #tpu.memory_space<vmem>>, vector<1x16xf32>,
    %get3A_49 = vector.shape_cast %get3A_48 : vector<1x16xf32> to vector<16xf32>
    %get3A_50 = arith.constant 1 : i32
    %get3A_51 = arith.index_cast %get3A_50 : i32 to index
    %get3A_52 = arith.constant 16 : index
    %get3A_53 = tpu.vector_load %arg8[%get3A_51, %get3A_52] {strides = array<i32>} : memref<3x128xf32, #tpu.memory_space<vmem>>, vector<1x16xf32>,
    %get3A_54 = vector.shape_cast %get3A_53 : vector<1x16xf32> to vector<16xf32>
    %add3A_55 = arith.addf %get3A_49, %get3A_54 : vector<16xf32>
    %get3A_56 = arith.constant 2 : i32
    %get3A_57 = arith.index_cast %get3A_56 : i32 to index
    %get3A_58 = arith.constant 16 : index
    %get3A_59 = tpu.vector_load %arg8[%get3A_57, %get3A_58] {strides = array<i32>} : memref<3x128xf32, #tpu.memory_space<vmem>>, vector<1x16xf32>,
    %get3A_60 = vector.shape_cast %get3A_59 : vector<1x16xf32> to vector<16xf32>
    %sub3A_61 = arith.subf %add3A_55, %get3A_60 : vector<16xf32>
    %abs3A_62 = math.absf %sub3A_61 : vector<16xf32>
    %add3A_63 = arith.addf %sub3A_44, %abs3A_62 : vector<16xf32>
    %get3A_64 = arith.constant 0 : i32
    %get3A_65 = arith.index_cast %get3A_64 : i32 to index
    %get3A_66 = arith.constant 16 : index
    %get3A_67 = tpu.vector_load %arg9[%get3A_65, %get3A_66] {strides = array<i32>} : memref<3x128xf32, #tpu.memory_space<vmem>>, vector<1x16xf32>,
    %get3A_68 = vector.shape_cast %get3A_67 : vector<1x16xf32> to vector<16xf32>
    %get3A_69 = arith.constant 1 : i32
    %get3A_70 = arith.index_cast %get3A_69 : i32 to index
    %get3A_71 = arith.constant 16 : index
    %get3A_72 = tpu.vector_load %arg9[%get3A_70, %get3A_71] {strides = array<i32>} : memref<3x128xf32, #tpu.memory_space<vmem>>, vector<1x16xf32>,
    %get3A_73 = vector.shape_cast %get3A_72 : vector<1x16xf32> to vector<16xf32>
    %add3A_74 = arith.addf %get3A_68, %get3A_73 : vector<16xf32>
    %get3A_75 = arith.constant 2 : i32
    %get3A_76 = arith.index_cast %get3A_75 : i32 to index
    %get3A_77 = arith.constant 16 : index
    %get3A_78 = tpu.vector_load %arg9[%get3A_76, %get3A_77] {strides = array<i32>} : memref<3x128xf32, #tpu.memory_space<vmem>>, vector<1x16xf32>,
    %get3A_79 = vector.shape_cast %get3A_78 : vector<1x16xf32> to vector<16xf32>
    %sub3A_80 = arith.subf %add3A_74, %get3A_79 : vector<16xf32>
    %abs3A_81 = math.absf %sub3A_80 : vector<16xf32>
    %sub3A_82 = arith.subf %add3A_63, %abs3A_81 : vector<16xf32>
    %get3A_83 = arith.constant 0 : i32
    %get3A_84 = arith.index_cast %get3A_83 : i32 to index
    %get3A_85 = arith.constant 32 : index
    %get3A_86 = tpu.vector_load %arg8[%get3A_84, %get3A_85] {strides = array<i32>} : memref<3x128xf32, #tpu.memory_space<vmem>>, vector<1x16xf32>,
    %get3A_87 = vector.shape_cast %get3A_86 : vector<1x16xf32> to vector<16xf32>
    %get3A_88 = arith.constant 1 : i32
    %get3A_89 = arith.index_cast %get3A_88 : i32 to index
    %get3A_90 = arith.constant 32 : index
    %get3A_91 = tpu.vector_load %arg8[%get3A_89, %get3A_90] {strides = array<i32>} : memref<3x128xf32, #tpu.memory_space<vmem>>, vector<1x16xf32>,
    %get3A_92 = vector.shape_cast %get3A_91 : vector<1x16xf32> to vector<16xf32>
    %add3A_93 = arith.addf %get3A_87, %get3A_92 : vector<16xf32>
    %get3A_94 = arith.constant 2 : i32
    %get3A_95 = arith.index_cast %get3A_94 : i32 to index
    %get3A_96 = arith.constant 32 : index
    %get3A_97 = tpu.vector_load %arg8[%get3A_95, %get3A_96] {strides = array<i32>} : memref<3x128xf32, #tpu.memory_space<vmem>>, vector<1x16xf32>,
    %get3A_98 = vector.shape_cast %get3A_97 : vector<1x16xf32> to vector<16xf32>
    %sub3A_99 = arith.subf %add3A_93, %get3A_98 : vector<16xf32>
    %abs3A_100 = math.absf %sub3A_99 : vector<16xf32>
    %add3A_101 = arith.addf %sub3A_82, %abs3A_100 : vector<16xf32>
    %get3A_102 = arith.constant 0 : i32
    %get3A_103 = arith.index_cast %get3A_102 : i32 to index
    %get3A_104 = arith.constant 32 : index
    %get3A_105 = tpu.vector_load %arg9[%get3A_103, %get3A_104] {strides = array<i32>} : memref<3x128xf32, #tpu.memory_space<vmem>>, vector<1x16xf32>,
    %get3A_106 = vector.shape_cast %get3A_105 : vector<1x16xf32> to vector<16xf32>
    %get3A_107 = arith.constant 1 : i32
    %get3A_108 = arith.index_cast %get3A_107 : i32 to index
    %get3A_109 = arith.constant 32 : index
    %get3A_110 = tpu.vector_load %arg9[%get3A_108, %get3A_109] {strides = array<i32>} : memref<3x128xf32, #tpu.memory_space<vmem>>, vector<1x16xf32>,
    %get3A_111 = vector.shape_cast %get3A_110 : vector<1x16xf32> to vector<16xf32>
    %add3A_112 = arith.addf %get3A_106, %get3A_111 : vector<16xf32>
    %get3A_113 = arith.constant 2 : i32
    %get3A_114 = arith.index_cast %get3A_113 : i32 to index
    %get3A_115 = arith.constant 32 : index
    %get3A_116 = tpu.vector_load %arg9[%get3A_114, %get3A_115] {strides = array<i32>} : memref<3x128xf32, #tpu.memory_space<vmem>>, vector<1x16xf32>,
    %get3A_117 = vector.shape_cast %get3A_116 : vector<1x16xf32> to vector<16xf32>
    %sub3A_118 = arith.subf %add3A_112, %get3A_117 : vector<16xf32>
    %abs3A_119 = math.absf %sub3A_118 : vector<16xf32>
    %sub3A_120 = arith.subf %add3A_101, %abs3A_119 : vector<16xf32>
    %get3A_121 = arith.constant 0 : i32
    %get3A_122 = arith.index_cast %get3A_121 : i32 to index
    %get3A_123 = arith.constant 48 : index
    %get3A_124 = tpu.vector_load %arg8[%get3A_122, %get3A_123] {strides = array<i32>} : memref<3x128xf32, #tpu.memory_space<vmem>>, vector<1x16xf32>,
    %get3A_125 = vector.shape_cast %get3A_124 : vector<1x16xf32> to vector<16xf32>
    %get3A_126 = arith.constant 1 : i32
    %get3A_127 = arith.index_cast %get3A_126 : i32 to index
    %get3A_128 = arith.constant 48 : index
    %get3A_129 = tpu.vector_load %arg8[%get3A_127, %get3A_128] {strides = array<i32>} : memref<3x128xf32, #tpu.memory_space<vmem>>, vector<1x16xf32>,
    %get3A_130 = vector.shape_cast %get3A_129 : vector<1x16xf32> to vector<16xf32>
    %add3A_131 = arith.addf %get3A_125, %get3A_130 : vector<16xf32>
    %get3A_132 = arith.constant 2 : i32
    %get3A_133 = arith.index_cast %get3A_132 : i32 to index
    %get3A_134 = arith.constant 48 : index
    %get3A_135 = tpu.vector_load %arg8[%get3A_133, %get3A_134] {strides = array<i32>} : memref<3x128xf32, #tpu.memory_space<vmem>>, vector<1x16xf32>,
    %get3A_136 = vector.shape_cast %get3A_135 : vector<1x16xf32> to vector<16xf32>
    %sub3A_137 = arith.subf %add3A_131, %get3A_136 : vector<16xf32>
    %abs3A_138 = math.absf %sub3A_137 : vector<16xf32>
    %add3A_139 = arith.addf %sub3A_120, %abs3A_138 : vector<16xf32>
    %get3A_140 = arith.constant 0 : i32
    %get3A_141 = arith.index_cast %get3A_140 : i32 to index
    %get3A_142 = arith.constant 48 : index
    %get3A_143 = tpu.vector_load %arg9[%get3A_141, %get3A_142] {strides = array<i32>} : memref<3x128xf32, #tpu.memory_space<vmem>>, vector<1x16xf32>,
    %get3A_144 = vector.shape_cast %get3A_143 : vector<1x16xf32> to vector<16xf32>
    %get3A_145 = arith.constant 1 : i32
    %get3A_146 = arith.index_cast %get3A_145 : i32 to index
    %get3A_147 = arith.constant 48 : index
    %get3A_148 = tpu.vector_load %arg9[%get3A_146, %get3A_147] {strides = array<i32>} : memref<3x128xf32, #tpu.memory_space<vmem>>, vector<1x16xf32>,
    %get3A_149 = vector.shape_cast %get3A_148 : vector<1x16xf32> to vector<16xf32>
    %add3A_150 = arith.addf %get3A_144, %get3A_149 : vector<16xf32>
    %get3A_151 = arith.constant 2 : i32
    %get3A_152 = arith.index_cast %get3A_151 : i32 to index
    %get3A_153 = arith.constant 48 : index
    %get3A_154 = tpu.vector_load %arg9[%get3A_152, %get3A_153] {strides = array<i32>} : memref<3x128xf32, #tpu.memory_space<vmem>>, vector<1x16xf32>,
    %get3A_155 = vector.shape_cast %get3A_154 : vector<1x16xf32> to vector<16xf32>
    %sub3A_156 = arith.subf %add3A_150, %get3A_155 : vector<16xf32>
    %abs3A_157 = math.absf %sub3A_156 : vector<16xf32>
    %sub3A_158 = arith.subf %add3A_139, %abs3A_157 : vector<16xf32>
    %get3A_159 = arith.constant 0 : i32
    %get3A_160 = arith.index_cast %get3A_159 : i32 to index
    %get3A_161 = arith.constant 64 : index
    %get3A_162 = tpu.vector_load %arg8[%get3A_160, %get3A_161] {strides = array<i32>} : memref<3x128xf32, #tpu.memory_space<vmem>>, vector<1x16xf32>,
    %get3A_163 = vector.shape_cast %get3A_162 : vector<1x16xf32> to vector<16xf32>
    %get3A_164 = arith.constant 1 : i32
    %get3A_165 = arith.index_cast %get3A_164 : i32 to index
    %get3A_166 = arith.constant 64 : index
    %get3A_167 = tpu.vector_load %arg8[%get3A_165, %get3A_166] {strides = array<i32>} : memref<3x128xf32, #tpu.memory_space<vmem>>, vector<1x16xf32>,
    %get3A_168 = vector.shape_cast %get3A_167 : vector<1x16xf32> to vector<16xf32>
    %add3A_169 = arith.addf %get3A_163, %get3A_168 : vector<16xf32>
    %get3A_170 = arith.constant 2 : i32
    %get3A_171 = arith.index_cast %get3A_170 : i32 to index
    %get3A_172 = arith.constant 64 : index
    %get3A_173 = tpu.vector_load %arg8[%get3A_171, %get3A_172] {strides = array<i32>} : memref<3x128xf32, #tpu.memory_space<vmem>>, vector<1x16xf32>,
    %get3A_174 = vector.shape_cast %get3A_173 : vector<1x16xf32> to vector<16xf32>
    %sub3A_175 = arith.subf %add3A_169, %get3A_174 : vector<16xf32>
    %abs3A_176 = math.absf %sub3A_175 : vector<16xf32>
    %add3A_177 = arith.addf %sub3A_158, %abs3A_176 : vector<16xf32>
    %get3A_178 = arith.constant 0 : i32
    %get3A_179 = arith.index_cast %get3A_178 : i32 to index
    %get3A_180 = arith.constant 64 : index
    %get3A_181 = tpu.vector_load %arg9[%get3A_179, %get3A_180] {strides = array<i32>} : memref<3x128xf32, #tpu.memory_space<vmem>>, vector<1x16xf32>,
    %get3A_182 = vector.shape_cast %get3A_181 : vector<1x16xf32> to vector<16xf32>
    %get3A_183 = arith.constant 1 : i32
    %get3A_184 = arith.index_cast %get3A_183 : i32 to index
    %get3A_185 = arith.constant 64 : index
    %get3A_186 = tpu.vector_load %arg9[%get3A_184, %get3A_185] {strides = array<i32>} : memref<3x128xf32, #tpu.memory_space<vmem>>, vector<1x16xf32>,
    %get3A_187 = vector.shape_cast %get3A_186 : vector<1x16xf32> to vector<16xf32>
    %add3A_188 = arith.addf %get3A_182, %get3A_187 : vector<16xf32>
    %get3A_189 = arith.constant 2 : i32
    %get3A_190 = arith.index_cast %get3A_189 : i32 to index
    %get3A_191 = arith.constant 64 : index
    %get3A_192 = tpu.vector_load %arg9[%get3A_190, %get3A_191] {strides = array<i32>} : memref<3x128xf32, #tpu.memory_space<vmem>>, vector<1x16xf32>,
    %get3A_193 = vector.shape_cast %get3A_192 : vector<1x16xf32> to vector<16xf32>
    %sub3A_194 = arith.subf %add3A_188, %get3A_193 : vector<16xf32>
    %abs3A_195 = math.absf %sub3A_194 : vector<16xf32>
    %sub3A_196 = arith.subf %add3A_177, %abs3A_195 : vector<16xf32>
    %get3A_197 = arith.constant 0 : i32
    %get3A_198 = arith.index_cast %get3A_197 : i32 to index
    %get3A_199 = arith.constant 80 : index
    %get3A_200 = tpu.vector_load %arg8[%get3A_198, %get3A_199] {strides = array<i32>} : memref<3x128xf32, #tpu.memory_space<vmem>>, vector<1x16xf32>,
    %get3A_201 = vector.shape_cast %get3A_200 : vector<1x16xf32> to vector<16xf32>
    %get3A_202 = arith.constant 1 : i32
    %get3A_203 = arith.index_cast %get3A_202 : i32 to index
    %get3A_204 = arith.constant 80 : index
    %get3A_205 = tpu.vector_load %arg8[%get3A_203, %get3A_204] {strides = array<i32>} : memref<3x128xf32, #tpu.memory_space<vmem>>, vector<1x16xf32>,
    %get3A_206 = vector.shape_cast %get3A_205 : vector<1x16xf32> to vector<16xf32>
    %add3A_207 = arith.addf %get3A_201, %get3A_206 : vector<16xf32>
    %get3A_208 = arith.constant 2 : i32
    %get3A_209 = arith.index_cast %get3A_208 : i32 to index
    %get3A_210 = arith.constant 80 : index
    %get3A_211 = tpu.vector_load %arg8[%get3A_209, %get3A_210] {strides = array<i32>} : memref<3x128xf32, #tpu.memory_space<vmem>>, vector<1x16xf32>,
    %get3A_212 = vector.shape_cast %get3A_211 : vector<1x16xf32> to vector<16xf32>
    %sub3A_213 = arith.subf %add3A_207, %get3A_212 : vector<16xf32>
    %abs3A_214 = math.absf %sub3A_213 : vector<16xf32>
    %add3A_215 = arith.addf %sub3A_196, %abs3A_214 : vector<16xf32>
    %get3A_216 = arith.constant 0 : i32
    %get3A_217 = arith.index_cast %get3A_216 : i32 to index
    %get3A_218 = arith.constant 80 : index
    %get3A_219 = tpu.vector_load %arg9[%get3A_217, %get3A_218] {strides = array<i32>} : memref<3x128xf32, #tpu.memory_space<vmem>>, vector<1x16xf32>,
    %get3A_220 = vector.shape_cast %get3A_219 : vector<1x16xf32> to vector<16xf32>
    %get3A_221 = arith.constant 1 : i32
    %get3A_222 = arith.index_cast %get3A_221 : i32 to index
    %get3A_223 = arith.constant 80 : index
    %get3A_224 = tpu.vector_load %arg9[%get3A_222, %get3A_223] {strides = array<i32>} : memref<3x128xf32, #tpu.memory_space<vmem>>, vector<1x16xf32>,
    %get3A_225 = vector.shape_cast %get3A_224 : vector<1x16xf32> to vector<16xf32>
    %add3A_226 = arith.addf %get3A_220, %get3A_225 : vector<16xf32>
    %get3A_227 = arith.constant 2 : i32
    %get3A_228 = arith.index_cast %get3A_227 : i32 to index
    %get3A_229 = arith.constant 80 : index
    %get3A_230 = tpu.vector_load %arg9[%get3A_228, %get3A_229] {strides = array<i32>} : memref<3x128xf32, #tpu.memory_space<vmem>>, vector<1x16xf32>,
    %get3A_231 = vector.shape_cast %get3A_230 : vector<1x16xf32> to vector<16xf32>
    %sub3A_232 = arith.subf %add3A_226, %get3A_231 : vector<16xf32>
    %abs3A_233 = math.absf %sub3A_232 : vector<16xf32>
    %sub3A_234 = arith.subf %add3A_215, %abs3A_233 : vector<16xf32>
    %get3A_235 = arith.constant 0 : i32
    %get3A_236 = arith.index_cast %get3A_235 : i32 to index
    %get3A_237 = arith.constant 96 : index
    %get3A_238 = tpu.vector_load %arg8[%get3A_236, %get3A_237] {strides = array<i32>} : memref<3x128xf32, #tpu.memory_space<vmem>>, vector<1x16xf32>,
    %get3A_239 = vector.shape_cast %get3A_238 : vector<1x16xf32> to vector<16xf32>
    %get3A_240 = arith.constant 1 : i32
    %get3A_241 = arith.index_cast %get3A_240 : i32 to index
    %get3A_242 = arith.constant 96 : index
    %get3A_243 = tpu.vector_load %arg8[%get3A_241, %get3A_242] {strides = array<i32>} : memref<3x128xf32, #tpu.memory_space<vmem>>, vector<1x16xf32>,
    %get3A_244 = vector.shape_cast %get3A_243 : vector<1x16xf32> to vector<16xf32>
    %add3A_245 = arith.addf %get3A_239, %get3A_244 : vector<16xf32>
    %get3A_246 = arith.constant 2 : i32
    %get3A_247 = arith.index_cast %get3A_246 : i32 to index
    %get3A_248 = arith.constant 96 : index
    %get3A_249 = tpu.vector_load %arg8[%get3A_247, %get3A_248] {strides = array<i32>} : memref<3x128xf32, #tpu.memory_space<vmem>>, vector<1x16xf32>,
    %get3A_250 = vector.shape_cast %get3A_249 : vector<1x16xf32> to vector<16xf32>
    %sub3A_251 = arith.subf %add3A_245, %get3A_250 : vector<16xf32>
    %abs3A_252 = math.absf %sub3A_251 : vector<16xf32>
    %add3A_253 = arith.addf %sub3A_234, %abs3A_252 : vector<16xf32>
    %get3A_254 = arith.constant 0 : i32
    %get3A_255 = arith.index_cast %get3A_254 : i32 to index
    %get3A_256 = arith.constant 96 : index
    %get3A_257 = tpu.vector_load %arg9[%get3A_255, %get3A_256] {strides = array<i32>} : memref<3x128xf32, #tpu.memory_space<vmem>>, vector<1x16xf32>,
    %get3A_258 = vector.shape_cast %get3A_257 : vector<1x16xf32> to vector<16xf32>
    %get3A_259 = arith.constant 1 : i32
    %get3A_260 = arith.index_cast %get3A_259 : i32 to index
    %get3A_261 = arith.constant 96 : index
    %get3A_262 = tpu.vector_load %arg9[%get3A_260, %get3A_261] {strides = array<i32>} : memref<3x128xf32, #tpu.memory_space<vmem>>, vector<1x16xf32>,
    %get3A_263 = vector.shape_cast %get3A_262 : vector<1x16xf32> to vector<16xf32>
    %add3A_264 = arith.addf %get3A_258, %get3A_263 : vector<16xf32>
    %get3A_265 = arith.constant 2 : i32
    %get3A_266 = arith.index_cast %get3A_265 : i32 to index
    %get3A_267 = arith.constant 96 : index
    %get3A_268 = tpu.vector_load %arg9[%get3A_266, %get3A_267] {strides = array<i32>} : memref<3x128xf32, #tpu.memory_space<vmem>>, vector<1x16xf32>,
    %get3A_269 = vector.shape_cast %get3A_268 : vector<1x16xf32> to vector<16xf32>
    %sub3A_270 = arith.subf %add3A_264, %get3A_269 : vector<16xf32>
    %abs3A_271 = math.absf %sub3A_270 : vector<16xf32>
    %sub3A_272 = arith.subf %add3A_253, %abs3A_271 : vector<16xf32>
    %get3A_273 = arith.constant 0 : i32
    %get3A_274 = arith.index_cast %get3A_273 : i32 to index
    %get3A_275 = arith.constant 112 : index
    %get3A_276 = tpu.vector_load %arg8[%get3A_274, %get3A_275] {strides = array<i32>} : memref<3x128xf32, #tpu.memory_space<vmem>>, vector<1x16xf32>,
    %get3A_277 = vector.shape_cast %get3A_276 : vector<1x16xf32> to vector<16xf32>
    %get3A_278 = arith.constant 1 : i32
    %get3A_279 = arith.index_cast %get3A_278 : i32 to index
    %get3A_280 = arith.constant 112 : index
    %get3A_281 = tpu.vector_load %arg8[%get3A_279, %get3A_280] {strides = array<i32>} : memref<3x128xf32, #tpu.memory_space<vmem>>, vector<1x16xf32>,
    %get3A_282 = vector.shape_cast %get3A_281 : vector<1x16xf32> to vector<16xf32>
    %add3A_283 = arith.addf %get3A_277, %get3A_282 : vector<16xf32>
    %get3A_284 = arith.constant 2 : i32
    %get3A_285 = arith.index_cast %get3A_284 : i32 to index
    %get3A_286 = arith.constant 112 : index
    %get3A_287 = tpu.vector_load %arg8[%get3A_285, %get3A_286] {strides = array<i32>} : memref<3x128xf32, #tpu.memory_space<vmem>>, vector<1x16xf32>,
    %get3A_288 = vector.shape_cast %get3A_287 : vector<1x16xf32> to vector<16xf32>
    %sub3A_289 = arith.subf %add3A_283, %get3A_288 : vector<16xf32>
    %abs3A_290 = math.absf %sub3A_289 : vector<16xf32>
    %add3A_291 = arith.addf %sub3A_272, %abs3A_290 : vector<16xf32>
    %get3A_292 = arith.constant 0 : i32
    %get3A_293 = arith.index_cast %get3A_292 : i32 to index
    %get3A_294 = arith.constant 112 : index
    %get3A_295 = tpu.vector_load %arg9[%get3A_293, %get3A_294] {strides = array<i32>} : memref<3x128xf32, #tpu.memory_space<vmem>>, vector<1x16xf32>,
    %get3A_296 = vector.shape_cast %get3A_295 : vector<1x16xf32> to vector<16xf32>
    %get3A_297 = arith.constant 1 : i32
    %get3A_298 = arith.index_cast %get3A_297 : i32 to index
    %get3A_299 = arith.constant 112 : index
    %get3A_300 = tpu.vector_load %arg9[%get3A_298, %get3A_299] {strides = array<i32>} : memref<3x128xf32, #tpu.memory_space<vmem>>, vector<1x16xf32>,
    %get3A_301 = vector.shape_cast %get3A_300 : vector<1x16xf32> to vector<16xf32>
    %add3A_302 = arith.addf %get3A_296, %get3A_301 : vector<16xf32>
    %get3A_303 = arith.constant 2 : i32
    %get3A_304 = arith.index_cast %get3A_303 : i32 to index
    %get3A_305 = arith.constant 112 : index
    %get3A_306 = tpu.vector_load %arg9[%get3A_304, %get3A_305] {strides = array<i32>} : memref<3x128xf32, #tpu.memory_space<vmem>>, vector<1x16xf32>,
    %get3A_307 = vector.shape_cast %get3A_306 : vector<1x16xf32> to vector<16xf32>
    %sub3A_308 = arith.subf %add3A_302, %get3A_307 : vector<16xf32>
    %abs3A_309 = math.absf %sub3A_308 : vector<16xf32>
    %sub3A_310 = arith.subf %add3A_291, %abs3A_309 : vector<16xf32>
    %iota3A = tpu.iota {dimensions = array<i32: 0>} : vector<16xi32>
    %xor3A = arith.constant 8 : i32
    %xor3A_311 = vector.broadcast %xor3A : i32 to vector<16xi32>
    %xor3A_312 = arith.xori %iota3A, %xor3A_311 : vector<16xi32>
    %lt3A = arith.constant 0 : i32
    %lt3A_313 = vector.broadcast %lt3A : i32 to vector<16xi32>
    %lt3A_314 = arith.cmpi slt, %xor3A_312, %lt3A_313 : vector<16xi32>
    %add3A_315 = arith.constant 16 : i32
    %add3A_316 = vector.broadcast %add3A_315 : i32 to vector<16xi32>
    %add3A_317 = arith.addi %xor3A_312, %add3A_316 : vector<16xi32>
    %select_n3A = arith.select %lt3A_314, %add3A_317, %xor3A_312 : vector<16xi1>, vector<16xi32>
    %broadcast_in_dim3A_318 = vector.shape_cast %select_n3A : vector<16xi32> to vector<16x1xi32>
    %gather3A = vector.shape_cast %broadcast_in_dim3A_318 : vector<16x1xi32> to vector<16xi32>
    %gather3A_319 = tpu.dynamic_gather %sub3A_310[%gather3A] in [0] : vector<16xf32>, vector<16xi32> -> vector<16xf32>
    %add3A_320 = arith.addf %sub3A_310, %gather3A_319 : vector<16xf32>
    %xor3A_321 = arith.constant 4 : i32
    %xor3A_322 = vector.broadcast %xor3A_321 : i32 to vector<16xi32>
    %xor3A_323 = arith.xori %iota3A, %xor3A_322 : vector<16xi32>
    %lt3A_324 = arith.constant 0 : i32
    %lt3A_325 = vector.broadcast %lt3A_324 : i32 to vector<16xi32>
    %lt3A_326 = arith.cmpi slt, %xor3A_323, %lt3A_325 : vector<16xi32>
    %add3A_327 = arith.constant 16 : i32
    %add3A_328 = vector.broadcast %add3A_327 : i32 to vector<16xi32>
    %add3A_329 = arith.addi %xor3A_323, %add3A_328 : vector<16xi32>
    %select_n3A_330 = arith.select %lt3A_326, %add3A_329, %xor3A_323 : vector<16xi1>, vector<16xi32>
    %broadcast_in_dim3A_331 = vector.shape_cast %select_n3A_330 : vector<16xi32> to vector<16x1xi32>
    %gather3A_332 = vector.shape_cast %broadcast_in_dim3A_331 : vector<16x1xi32> to vector<16xi32>
    %gather3A_333 = tpu.dynamic_gather %add3A_320[%gather3A_332] in [0] : vector<16xf32>, vector<16xi32> -> vector<16xf32>
    %add3A_334 = arith.addf %add3A_320, %gather3A_333 : vector<16xf32>
    %xor3A_335 = arith.constant 2 : i32
    %xor3A_336 = vector.broadcast %xor3A_335 : i32 to vector<16xi32>
    %xor3A_337 = arith.xori %iota3A, %xor3A_336 : vector<16xi32>
    %lt3A_338 = arith.constant 0 : i32
    %lt3A_339 = vector.broadcast %lt3A_338 : i32 to vector<16xi32>
    %lt3A_340 = arith.cmpi slt, %xor3A_337, %lt3A_339 : vector<16xi32>
    %add3A_341 = arith.constant 16 : i32
    %add3A_342 = vector.broadcast %add3A_341 : i32 to vector<16xi32>
    %add3A_343 = arith.addi %xor3A_337, %add3A_342 : vector<16xi32>
    %select_n3A_344 = arith.select %lt3A_340, %add3A_343, %xor3A_337 : vector<16xi1>, vector<16xi32>
    %broadcast_in_dim3A_345 = vector.shape_cast %select_n3A_344 : vector<16xi32> to vector<16x1xi32>
    %gather3A_346 = vector.shape_cast %broadcast_in_dim3A_345 : vector<16x1xi32> to vector<16xi32>
    %gather3A_347 = tpu.dynamic_gather %add3A_334[%gather3A_346] in [0] : vector<16xf32>, vector<16xi32> -> vector<16xf32>
    %add3A_348 = arith.addf %add3A_334, %gather3A_347 : vector<16xf32>
    %xor3A_349 = arith.constant 1 : i32
    %xor3A_350 = vector.broadcast %xor3A_349 : i32 to vector<16xi32>
    %xor3A_351 = arith.xori %iota3A, %xor3A_350 : vector<16xi32>
    %lt3A_352 = arith.constant 0 : i32
    %lt3A_353 = vector.broadcast %lt3A_352 : i32 to vector<16xi32>
    %lt3A_354 = arith.cmpi slt, %xor3A_351, %lt3A_353 : vector<16xi32>
    %add3A_355 = arith.constant 16 : i32
    %add3A_356 = vector.broadcast %add3A_355 : i32 to vector<16xi32>
    %add3A_357 = arith.addi %xor3A_351, %add3A_356 : vector<16xi32>
    %select_n3A_358 = arith.select %lt3A_354, %add3A_357, %xor3A_351 : vector<16xi1>, vector<16xi32>
    %broadcast_in_dim3A_359 = vector.shape_cast %select_n3A_358 : vector<16xi32> to vector<16x1xi32>
    %gather3A_360 = vector.shape_cast %broadcast_in_dim3A_359 : vector<16x1xi32> to vector<16xi32>
    %gather3A_361 = tpu.dynamic_gather %add3A_348[%gather3A_360] in [0] : vector<16xf32>, vector<16xi32> -> vector<16xf32>
    %add3A_362 = arith.addf %add3A_348, %gather3A_361 : vector<16xf32>
    %add3A_363 = arith.constant 1.000000e+00 : f32
    %add3A_364 = vector.broadcast %add3A_363 : f32 to vector<16xf32>
    %add3A_365 = arith.addf %add3A_362, %add3A_364 : vector<16xf32>
    %max3A = arith.constant 0.000000e+00 : f32
    %max3A_366 = vector.broadcast %max3A : f32 to vector<16xf32>
    %max3A_367 = arith.maximumf %add3A_365, %max3A_366 : vector<16xf32>
    %swap3A = arith.constant 0 : index
    %swap3A_368 = tpu.vector_load %arg10[%swap3A] {strides = array<i32>} : memref<16xf32, #tpu.memory_space<vmem>>, vector<16xf32>,
    %swap3A_369 = vector.shape_cast %swap3A_368 : vector<16xf32> to vector<16xf32>
    %swap3A_370 = vector.shape_cast %max3A_367 : vector<16xf32> to vector<16xf32>
    tpu.vector_store %arg10[%swap3A], %swap3A_370 {strides = array<i32>} : memref<16xf32, #tpu.memory_space<vmem>>, vector<16xf32>,
    "tpu.region"() ({
      %run_scoped3A = tpu.sem_alloc : memref<!tpu.dma_semaphore, #tpu.memory_space<semaphore_mem>>
      %dma_start3A_371 = arith.constant 0 : i32
      %dma_start3A_372 = tpu.memref_slice %arg10[%dma_start3A_371] : memref<16xf32, #tpu.memory_space<vmem>> -> memref<1xf32, #tpu.memory_space<vmem>>
      %dma_start3A_373 = arith.constant 0 : i32
      %dma_start3A_374 = tpu.memref_slice %arg10[%dma_start3A_373] : memref<16xf32, #tpu.memory_space<vmem>> -> memref<1xf32, #tpu.memory_space<vmem>>
      tpu.enqueue_dma source(%dma_start3A_374 : memref<1xf32, #tpu.memory_space<vmem>>) target(%arg5 : memref<1xf32, #tpu.memory_space<hbm>>) target_semaphore(%run_scoped3A : memref<!tpu.dma_semaphore, #tpu.memory_space<semaphore_mem>>)
      %dma_wait3A_375 = arith.constant 0 : i32
      %dma_wait3A_376 = tpu.memref_slice %arg10[%dma_wait3A_375] : memref<16xf32, #tpu.memory_space<vmem>> -> memref<1xf32, #tpu.memory_space<vmem>>
      %dma_wait3A_377 = arith.constant 0 : i32
      %dma_wait3A_378 = tpu.memref_slice %arg10[%dma_wait3A_377] : memref<16xf32, #tpu.memory_space<vmem>> -> memref<1xf32, #tpu.memory_space<vmem>>
      tpu.wait_dma2 semaphore(%run_scoped3A : memref<!tpu.dma_semaphore, #tpu.memory_space<semaphore_mem>>) src(%dma_wait3A_378 : memref<1xf32, #tpu.memory_space<vmem>>) dst(%arg5 : memref<1xf32, #tpu.memory_space<hbm>>)
      tpu.yield
    }) : () -> ()
    return
  }
}

</mosaic_0001>

<sc_bundles>
// kernel: kernel.3.cloned.1.call-start
scs
__scs_entry_jumppad:
0x0: {  	(pc) =	sbr.rel $0x88, $3  }
0x1: {  	(tag) =	ssettag $0x0;
	lr =	simm.s32 $0x1  }
0x2: {  	[smem:$0x3F9E] =	sst lr;
	_ =	strace $0xD0000000  }
0x3: {  	_ = 	snop  }
0x4: {  	_ = 	snop  }
0x5: {  	_ = 	snop  }
0x6: {  	_ = 	snop  }
0x7: {  	_ = 	snop  }
__scs_overlays_trampoline_lowered:
0x8: {  	[smem:$0x3FAD] =	sst s0  }
0x9: {  	[smem:$0x3FAE] =	sst s1  }
0xa: {  	[smem:$0x3FAF] =	sst s2  }
0xb: {  	[smem:$0x3FB0] =	sst s3  }
0xc: {  	[smem:$0x3FB1] =	sst s4  }
0xd: {  	[smem:$0x3FB2] =	sst s5  }
0xe: {  	[smem:$0x3FB3] =	sst s6  }
0xf: {  	[smem:$0x3FB4] =	sst s7  }
0x10: {  	[smem:$0x3FB5] =	sst s8  }
0x11: {  	[smem:$0x3FB6] =	sst s9;
	s0 =	simm.s32 @!p0 $0x0  }
0x12: {  	s1 =	sld [smem:$0x3F9C];
	s0 =	simm.s32 @p0 $0x1  }
0x13: {  	[smem:$0x3FB7] =	sst s0;
	s0 =	simm.s32 @!p1 $0x0  }
0x14: {  	s2 =	sld [smem:$0x3F9B];
	s0 =	simm.s32 @p1 $0x1  }
0x15: {  	[smem:$0x3FB8] =	sst s0;
	s0 =	simm.s32 @!p2 $0x0  }
0x16: {  	s3 =	sld [smem:$0x3FDB];
	s0 =	simm.s32 @p2 $0x1  }
0x17: {  	s4 =	simm.s32 $0x1BF5;
	[smem:$0x3FBA] =	sst s0  }
0x18: {  	s0 =	sld [smem:$0x3F9D];
	_ =	swait.ge [sflag:s4], $0x0  }
0x19: {  	s7 =	sld [smem:$0x3F9E]  }
0x1a: {  	s8 =	sadd.s32 $0xFFFFE003, lr  }
0x1b: {  	s9 =	sadd.s32 $0xFFFFFEF7, lr;
	s5 =	simm.s32 $0xFFFFFFFF;
	p2 =	slt.u32 s8, $0xFFFFF086  }
0x1c: {  	p1 =	slt.u32 s9, $0xF7A;
	s5 =	simm.s32 @!p2 $0x0  }
0x1d: {  	s5 =	simm.s32 @p1 $0x1;
	p0 =	seq.s32 s7, s2  }
0x1e: {  	s7 =	smul.u32 @!p0 $0xF7A, s2;
	p2 =	seq.s32 @!p0 s5, $0x0  }
0x1f: {  	s9 =	smul.u32 $0xF7A, s1;
	s8 =	simm.s32 @!p0 $0x1BF5;
	p2 =	por !p2, p0  }
0x20: {  	[sflag:s8] =	ssyncset.s32 @!p0 $0xFFFFF086;
	s6 =	sadd.s32 @!p0 s3, s7;
	s7 =	simm.s32 @!p0 $0x108  }
0x21: {  	s3 =	sadd.s32 s3, s9;
	s6 =	sadd.s32 @!p0 $0x88, s6;
	s7 =	simm.s32 @p2 $0x1082  }
0x22: {  	[simem:s7], [sflag:s8] =	dma.local @!p0 [hbm:s6], $0xF7A  }
0x23: {  	s9 =	sor.u32 $0xD0000000, s2;
	s6 =	simm.s32 $0x108;
	_ =	swait.ge @!p0 [sflag:s8], $0x0  }
0x24: {  	s3 =	sadd.s32 $0x88, s3;
	s6 =	simm.s32 @!p1 $0x1082;
	[sflag:s4] =	ssyncset.s32 $0xFFFFF086  }
0x25: {  	[simem:s6], [sflag:s4] =	dma.local [hbm:s3], $0xF7A  }
0x26: {  	[smem:$0x3F9E] =	sst s1;
	(tag) =	ssettag s2;
	_ =	strace s9  }
0x27: {  	s1 =	sld [smem:$0x3FAE]  }
0x28: {  	s2 =	sld [smem:$0x3FAF]  }
0x29: {  	s4 =	sld [smem:$0x3FB1]  }
0x2a: {  	p0 =	seq.s32 s5, $0x0;
	s5 =	sld [smem:$0x3FB2]  }
0x2b: {  	s6 =	sld [smem:$0x3FB3]  }
0x2c: {  	s7 =	sld [smem:$0x3FB4]  }
0x2d: {  	s3 =	simm.s32 $0x108;
	s8 =	sld [smem:$0x3FB5]  }
0x2e: {  	s3 =	simm.s32 @!p0 $0x1082;
	s9 =	sld [smem:$0x3FB6]  }
0x2f: {  	lr =	sadd.s32 s0, s3;
	s0 =	sld [smem:$0x3FAD]  }
0x30: {  	s3 =	sld [smem:$0x3FB0]  }
0x31: {  	[smem:$0x3FB9] =	sst s10  }
0x32: {  	s10 =	sld [smem:$0x3FB7];
	_ =	sdelay $0x3  }
0x33: {  	p0 =	seq.s32 s10, $0x1;
	s10 =	sld [smem:$0x3FB9];
	_ =	sdelay $0x3  }
0x34: {  	[smem:$0x3FB9] =	sst s10  }
0x35: {  	s10 =	sld [smem:$0x3FB8];
	_ =	sdelay $0x3  }
0x36: {  	p1 =	seq.s32 s10, $0x1;
	s10 =	sld [smem:$0x3FB9];
	_ =	sdelay $0x3  }
0x37: {  	[smem:$0x3FB9] =	sst s10  }
0x38: {  	s10 =	sld [smem:$0x3FBA]  }
0x39: {  	_ = 	snop;
	(pc) =	sbr.ind lr, $3  }
0x3a: {  	_ = 	snop  }
0x3b: {  	_ = 	snop  }
0x3c: {  	p2 =	seq.s32 s10, $0x1;
	s10 =	sld [smem:$0x3FB9]  }
0x3d: {  	_ =	shalt  }
0x3e: {  	_ =	shalt  }
0x3f: {  	_ =	shalt  }
0x40: {  	_ =	shalt  }
0x41: {  	_ =	shalt  }
0x42: {  	_ =	shalt  }
0x43: {  	_ =	shalt  }
0x44: {  	_ =	shalt  }
0x45: {  	_ =	shalt  }
0x46: {  	_ =	shalt  }
0x47: {  	_ =	shalt  }
0x48: {  	_ =	shalt  }
0x49: {  	_ =	shalt  }
0x4a: {  	_ =	shalt  }
0x4b: {  	_ =	shalt  }
0x4c: {  	_ =	shalt  }
0x4d: {  	_ =	shalt  }
0x4e: {  	_ =	shalt  }
0x4f: {  	_ =	shalt  }
0x50: {  	_ =	shalt  }
0x51: {  	_ =	shalt  }
0x52: {  	_ =	shalt  }
0x53: {  	_ =	shalt  }
0x54: {  	_ =	shalt  }
0x55: {  	_ =	shalt  }
0x56: {  	_ =	shalt  }
0x57: {  	_ =	shalt  }
0x58: {  	_ =	shalt  }
0x59: {  	_ =	shalt  }
0x5a: {  	_ =	shalt  }
0x5b: {  	_ =	shalt  }
0x5c: {  	_ =	shalt  }
0x5d: {  	_ =	shalt  }
0x5e: {  	_ =	shalt  }
0x5f: {  	_ =	shalt  }
0x60: {  	_ =	shalt  }
0x61: {  	_ =	shalt  }
0x62: {  	_ =	shalt  }
0x63: {  	_ =	shalt  }
0x64: {  	_ =	shalt  }
0x65: {  	_ =	shalt  }
0x66: {  	_ =	shalt  }
0x67: {  	_ =	shalt  }
0x68: {  	_ =	shalt  }
0x69: {  	_ =	shalt  }
0x6a: {  	_ =	shalt  }
0x6b: {  	_ =	shalt  }
0x6c: {  	_ =	shalt  }
0x6d: {  	_ =	shalt  }
0x6e: {  	_ =	shalt  }
0x6f: {  	_ =	shalt  }
0x70: {  	_ =	shalt  }
0x71: {  	_ =	shalt  }
0x72: {  	_ =	shalt  }
0x73: {  	_ =	shalt  }
0x74: {  	_ =	shalt  }
0x75: {  	_ =	shalt  }
0x76: {  	_ =	shalt  }
0x77: {  	_ =	shalt  }
0x78: {  	_ =	shalt  }
0x79: {  	_ =	shalt  }
0x7a: {  	_ =	shalt  }
0x7b: {  	_ =	shalt  }
0x7c: {  	_ =	shalt  }
0x7d: {  	_ =	shalt  }
0x7e: {  	_ =	shalt  }
0x7f: {  	_ =	shalt  }
0x80: {  	_ =	shalt  }
0x81: {  	_ =	shalt  }
0x82: {  	_ =	shalt  }
0x83: {  	_ =	shalt  }
0x84: {  	_ =	shalt  }
0x85: {  	_ =	shalt  }
0x86: {  	_ =	shalt  }
0x87: {  	_ =	shalt  }
.Lfunc_end0:
.L_simem_size_0:
called_computation_lowered:
.L_overlay_start_0:
0x88: {  	s0 =	sld [smem:$0x3FD9]  }
0x89: {  	s1 =	sld [smem:$0x3FFE];
	_ =	sdelay $0x3  }
0x8a: {  	s0 =	sadd.s32 s1, s0  }
0x8b: {  	[smem:$0x3FC5] =	sst s0  }
0x8c: {  	_ = 	snop  }
0x8d: {  	s0 =	sld [smem:$0x3FC9]  }
0x8e: {  	s17 =	sld [smem:$0x3FC8]  }
0x8f: {  	s2 =	sld [smem:$0x3FC7]  }
0x90: {  	s3 =	sld [smem:$0x3FD0];
	(tm) =	ssettm $0x1  }
0x91: {  	s4 =	sld [smem:$0x3FFB];
	_ =	sdelay $0x3  }
0x92: {  	_ =	strace s4  }
0x93: {  	s4 =	sld [smem:$0x3FFC];
	_ =	sdelay $0x3  }
0x94: {  	_ =	strace s4  }
0x95: {  	s4 =	sld [smem:$0x3FFD];
	_ =	sdelay $0x3  }
0x96: {  	_ =	strace s4  }
0x97: {  	_ =	strace $0x8FFFFFFF  }
0x98: {  	s18 =	sld [smem:$0x3FDB];
	_ =	sdelay $0x1  }
0x99: {  	s5 =	simm.s32 $_scs_section_size  }
0x9a: {  	s6 =	simm.s32 $_size__tile_overlayer_lowered;
	s7 =	simm.s32 $_tile_overlayer_lowered  }
0x9b: {  	s21 =	simm.s32 $0x1BFF;
	s20 =	sshll.u32 s7, $0x1;
	s4 =	sadd.s32 s5, s18  }
0x9c: {  	s8 =	simm.s32 $0x0;
	s19 =	sshll.u32 s6, $0x1;
	s6 =	sadd.s32 s20, s4  }
0x9d: {  	[timem:s8], [sflag:s21] =	dma.local [hbm:s6], s19  }
0x9e: {  	_ =	swait.ge [sflag:s21], s19  }
0x9f: {  	s5 =	ssub.s32 $0x0, s19;
	[sflag:s21] =	ssyncset.done $0x0  }
0xa0: {  	[sflag:s21] =	ssyncadd.s32 s5;
	_ =	sdelay $0x1  }
0xa1: {  	s22 =	simm.s32 $0x1B8B  }
0xa2: {  	_ =	swait.ge [sflag:s22], $0x1  }
0xa3: {  	[sflag:s22] =	ssyncset.done $0x0  }
0xa4: {  	s23 =	simm.s32 $0x1B8E;
	[sflag:s22] =	ssyncadd.s32 $0xFFFFFFFF  }
0xa5: {  	s24 =	simm.s32 $execute0_lowered;
	[smem:$0x3FD2] =	sst s23  }
0xa6: {  	s5 =	sshll.u32 s24, $0x1;
	_ =	strace $0x80000046;
	[dreg:$0x1] =	wrdreg $0xFFFFFFFF  }
0xa7: {  	s25 =	simm.s32 $_size_execute0_lowered;
	s4 =	sadd.s32 s4, s5;
	[dreg:$0x0] =	wrdreg $0x0  }
0xa8: {  	s5 =	sshll.u32 s25, $0x1;
	[dreg:$0x2] =	wrdreg s4  }
0xa9: {  	[dreg:$0x3] =	wrdreg s5  }
0xaa: {  	[dreg:$0x4] =	wrdreg $0xC0  }
0xab: {  	_ =	task [dreg:s8], $0x5FFFF  }
0xac: {  	[dreg:$0x1] =	wrdreg $0xFFFFFFFF  }
0xad: {  	[dreg:$0x0] =	wrdreg $0x60  }
0xae: {  	[dreg:$0x2] =	wrdreg s0  }
0xaf: {  	[dreg:$0x3] =	wrdreg s17  }
0xb0: {  	[dreg:$0x4] =	wrdreg s2  }
0xb1: {  	[dreg:$0x5] =	wrdreg s3  }
0xb2: {  	[dreg:$0x6] =	wrdreg $0x9  }
0xb3: {  	_ =	task.clear_ibuf [dreg:s8], $0x7FFFF;
	_ =	strace $0x90000046  }
0xb4: {  	s26 =	simm.s32 $0x9;
	_ =	strace $0x80000048  }
0xb5: {  	_ =	swait.ge [sflag:s26], $0x1  }
0xb6: {  	[sflag:s26] =	ssyncadd.s32 $0xFFFFFFFF  }
0xb7: {  	_ =	strace $0x90000048  }
0xb8: {  	_ =	sfence  }
0xb9: {  	s28 =	sld [smem:$0x0];
	_ =	sdelay $0x1  }
0xba: {  	s29 =	srdreg.scid  }
0xbb: {  	s30 =	sshll.u32 s29, $0xD;
	s31 =	sshrl.u32 s29, $0x2  }
0xbc: {  	s1 =	sand.u32 $0x1, s29;
	s2 =	sand.u32 $0x4000, s30;
	s0 =	sadd.s32 s31, s28  }
0xbd: {  	s1 =	sor.u32 s2, s1;
	s0 =	sshll.u32 s0, $0x11  }
0xbe: {  	s0 =	sor.u32 s0, s1  }
0xbf: {  	s0 =	sadd.s32 $0x8F2B, s0  }
0xc0: {  	[sflag:s0] =	ssyncadd.remote.s32 $0x1  }
0xc1: {  	_ =	sfence.sel $0xFFFF  }
0xc2: {  	[dreg:$0x0] =	wrdreg $0xFFFFFFFF;
	(pc) =	sbr.abs _section_cstart, $3  }
0xc3: {  	[dreg:$0x1] =	wrdreg $0xFFFFFFFF  }
0xc4: {  	_ =	task.clear_ibuf [dreg:s8], $0x2FFFF;
	_ =	strace $0x9FFFFFFF  }
0xc5: {  	(tm) =	ssettm $0x7FFFFFFF  }
tec
execute0_lowered:
.L_overlay_start_1:
0x0: {  	(tag) =	ssettag $0x1  }
0x1: {  	s2 =	stileid.u32  }
0x2: {  	p0 =	sne.s32 s2, $0x0  }
.Ltmp0:
0x3: {  	s5 =	rddreg [dreg:$0x0];
	(pc) =	sbr.rel @p0 .LBB2_2-.Ltmp0, $4  }
0x4: {  	s3 =	rddreg [dreg:$0x1]  }
0x5: {  	s4 =	rddreg [dreg:$0x2]  }
0x6: {  	s1 =	rddreg [dreg:$0x3]  }
0x7: {  	s0 =	rddreg [dreg:$0x4];
	_ =	strace $0x80000047  }
0x8: {  	s2 =	simm.s32 $0x0  }
0x9: {  	[tilespmem:s2], [sflag:$0x1] =	stream.linear.gather [hbm4b:s5+s2], $0x80, $0x38;
	[tilespmem:$0x580] =	vst v63  }
0xa: {  	s28 =	simm.s32 $0x80;
	s6 =	simm.s32 $0x1  }
0xb: {  	[tilespmem:s28], [sflag:$0x2] =	stream.linear.gather [hbm4b:s3+s2], $0x80, $0x38;
	[tilespmem:$0x580] =	vst v63  }
0xc: {  	_ =	swait.ge [sflag:s6], $0x80  }
0xd: {  	s29 =	simm.s32 $0x3;
	[sflag:s6] =	ssyncset.done $0x0  }
0xe: {  	s7 =	simm.s32 $0x100;
	s30 =	simm.s32 $0x2;
	[sflag:s6] =	ssyncadd.s32 $0xFFFFFF80  }
0xf: {  	[tilespmem:s7], [sflag:$0x1] =	stream.indirect.gather [hbm4b:s4+s29], $0x80, s2, s29, $0xb8;
	[tilespmem:$0x580] =	vst v63  }
0x10: {  	_ =	swait.ge [sflag:s30], $0x80  }
0x11: {  	[sflag:s30] =	ssyncset.done $0x0  }
0x12: {  	s8 =	simm.s32 $0x300;
	[sflag:s30] =	ssyncadd.s32 $0xFFFFFF80  }
0x13: {  	[tilespmem:s8], [sflag:$0x2] =	stream.indirect.gather [hbm4b:s4+s29], $0x80, s28, s29, $0xb8;
	[tilespmem:$0x580] =	vst v63  }
0x14: {  	_ =	swait.ge [sflag:s6], $0x180  }
0x15: {  	[sflag:s6] =	ssyncset.done $0x0  }
0x16: {  	[sflag:s6] =	ssyncadd.s32 $0xFFFFFE80  }
0x17: {  	_ =	swait.ge [sflag:s30], $0x180  }
0x18: {  	[sflag:s30] =	ssyncset.done $0x0  }
0x19: {  	[sflag:s30] =	ssyncadd.s32 $0xFFFFFE80  }
0x1a: {  	v0 =	vld [tilespmem:$0x100]  }
0x1b: {  	v1 =	vld [tilespmem:$0x180]  }
0x1c: {  	v2 =	vld [tilespmem:$0x200]  }
0x1d: {  	v3 =	vld [tilespmem:$0x300]  }
0x1e: {  	v4 =	vld [tilespmem:$0x380]  }
0x1f: {  	v5 =	vld [tilespmem:$0x400]  }
0x20: {  	v6 =	vld [tilespmem:$0x110]  }
0x21: {  	v7 =	vld [tilespmem:$0x190]  }
0x22: {  	v8 =	vld [tilespmem:$0x210]  }
0x23: {  	v9 =	vld [tilespmem:$0x310]  }
0x24: {  	v10 =	vld [tilespmem:$0x390]  }
0x25: {  	v11 =	vld [tilespmem:$0x410]  }
0x26: {  	v12 =	vld [tilespmem:$0x120]  }
0x27: {  	v13 =	vld [tilespmem:$0x1A0]  }
0x28: {  	v14 =	vld [tilespmem:$0x220]  }
0x29: {  	v15 =	vld [tilespmem:$0x320]  }
0x2a: {  	v16 =	vld [tilespmem:$0x3A0]  }
0x2b: {  	v17 =	vld [tilespmem:$0x420]  }
0x2c: {  	v18 =	vld [tilespmem:$0x130]  }
0x2d: {  	v19 =	vld [tilespmem:$0x1B0]  }
0x2e: {  	v20 =	vld [tilespmem:$0x230]  }
0x2f: {  	v21 =	vld [tilespmem:$0x330]  }
0x30: {  	v22 =	vld [tilespmem:$0x3B0]  }
0x31: {  	v59 =	vld [tilespmem:$0x430];
	v0 =	vadd.f32 v1, v0;
	v58 =	vadd.f32 v4, v3  }
0x32: {  	v61 =	vld [tilespmem:$0x140];
	v60 =	vadd.f32 v7, v6  }
0x33: {  	v62 =	vld [tilespmem:$0x1C0];
	v0 =	vsub.f32 v0, v2;
	v1 =	vsub.f32 v58, v5  }
0x34: {  	v63 =	vld [tilespmem:$0x240];
	v23 =	vadd.f32 v10, v9  }
0x35: {  	v24 =	vld [tilespmem:$0x340];
	v4 =	vsub.f32 v60, v8;
	v0 =	vand.u32 $0x7FFFFFFF, v0;
	v1 =	vand.u32 $0x7FFFFFFF, v1  }
0x36: {  	v25 =	vld [tilespmem:$0x3C0];
	v0 =	vsub.f32 v0, v1  }
0x37: {  	v27 =	vld [tilespmem:$0x440];
	v26 =	vadd.f32 v13, v12;
	v7 =	vsub.f32 v23, v11;
	v4 =	vand.u32 $0x7FFFFFFF, v4  }
0x38: {  	v28 =	vld [tilespmem:$0x150];
	v0 =	vadd.f32 v4, v0  }
0x39: {  	v30 =	vld [tilespmem:$0x1D0];
	v29 =	vadd.f32 v16, v15;
	v9 =	vsub.f32 v26, v14;
	v7 =	vand.u32 $0x7FFFFFFF, v7  }
0x3a: {  	v31 =	vld [tilespmem:$0x250];
	v0 =	vsub.f32 v0, v7  }
0x3b: {  	v33 =	vld [tilespmem:$0x350];
	v32 =	vadd.f32 v19, v18;
	v11 =	vsub.f32 v29, v17;
	v9 =	vand.u32 $0x7FFFFFFF, v9  }
0x3c: {  	v34 =	vld [tilespmem:$0x3D0];
	v0 =	vadd.f32 v9, v0  }
0x3d: {  	v36 =	vld [tilespmem:$0x450];
	v35 =	vadd.f32 v22, v21;
	v13 =	vsub.f32 v32, v20;
	v11 =	vand.u32 $0x7FFFFFFF, v11  }
0x3e: {  	v37 =	vld [tilespmem:$0x160];
	v0 =	vsub.f32 v0, v11  }
0x3f: {  	v38 =	vld [tilespmem:$0x1E0];
	v3 =	vsub.f32 v35, v59;
	v2 =	vadd.f32 v62, v61;
	v13 =	vand.u32 $0x7FFFFFFF, v13  }
0x40: {  	v39 =	vld [tilespmem:$0x260];
	v0 =	vadd.f32 v13, v0  }
0x41: {  	v40 =	vld [tilespmem:$0x360];
	v2 =	vsub.f32 v2, v63;
	v3 =	vand.u32 $0x7FFFFFFF, v3;
	v1 =	vadd.f32 v25, v24  }
0x42: {  	v41 =	vld [tilespmem:$0x3E0];
	v0 =	vsub.f32 v0, v3  }
0x43: {  	v42 =	vld [tilespmem:$0x460];
	v2 =	vand.u32 $0x7FFFFFFF, v2;
	v1 =	vsub.f32 v1, v27;
	v4 =	vadd.f32 v30, v28  }
0x44: {  	v43 =	vld [tilespmem:$0x170];
	v0 =	vadd.f32 v2, v0  }
0x45: {  	v45 =	vld [tilespmem:$0x1F0];
	v44 =	vadd.f32 v34, v33;
	v4 =	vsub.f32 v4, v31;
	v1 =	vand.u32 $0x7FFFFFFF, v1  }
0x46: {  	v47 =	vld [tilespmem:$0x370];
	v0 =	vsub.f32 v0, v1  }
0x47: {  	v48 =	vld [tilespmem:$0x3F0];
	v6 =	vadd.f32 v38, v37;
	v7 =	vsub.f32 v44, v36;
	v4 =	vand.u32 $0x7FFFFFFF, v4  }
0x48: {  	v46 =	vld [tilespmem:$0x270];
	v0 =	vadd.f32 v4, v0  }
0x49: {  	v6 =	vsub.f32 v6, v39;
	v49 =	vand.u32 $0x7FFFFFFF, v7;
	v3 =	vadd.f32 v41, v40  }
0x4a: {  	v53 =	vimm.s32 $0xFEDCBA98;
	v50 =	vld [tilespmem:$0x470];
	v0 =	vsub.f32 v0, v49  }
0x4b: {  	v6 =	vand.u32 $0x7FFFFFFF, v6;
	v2 =	vadd.f32 v45, v43;
	v3 =	vsub.f32 v3, v42  }
0x4c: {  	v54 =	vimm.s32 $0x76543210;
	v52 =	vadd.f32 v48, v47;
	v0 =	vadd.f32 v6, v0  }
0x4d: {  	v1 =	vsub.f32 v2, v46;
	v51 =	vand.u32 $0x7FFFFFFF, v3;
	v4 =	vunpack.c.l.s4.s8 v53  }
0x4e: {  	v2 =	vunpack.c.l.s4.s8 v54;
	v0 =	vsub.f32 v0, v51  }
0x4f: {  	v3 =	vsub.f32 v52, v50;
	v1 =	vand.u32 $0x7FFFFFFF, v1;
	v55 =	vunpack.c.0.s8.s32 v4  }
0x50: {  	v2 =	vunpack.c.0.s8.s32 v2;
	v0 =	vadd.f32 v1, v0  }
0x51: {  	v56 =	vimm.s32 $0xBA98FEDC;
	v3 =	vand.u32 $0x7FFFFFFF, v3;
	v1 =	vand.u32 $0xF, v55  }
0x52: {  	v57 =	vimm.s32 $0x32107654;
	v1 =	vcombine.low v1, v2;
	v0 =	vsub.f32 v0, v3  }
0x53: {  	v2 =	vunpack.c.l.s4.s8 v56;
	v3 =	vunpack.c.l.s4.s8 v57  }
0x54: {  	v1 =	vperm.xlane v0, v1  }
0x55: {  	v2 =	vunpack.c.0.s8.s32 v2;
	v3 =	vunpack.c.0.s8.s32 v3  }
0x56: {  	v59 =	vimm.s32 $0xDCFE98BA;
	v60 =	vimm.s32 $0x54761032;
	v0 =	vadd.f32 v0, v1  }
0x57: {  	v58 =	vcombine.low v3, v2;
	v2 =	vunpack.c.l.s4.s8 v59;
	v3 =	vunpack.c.l.s4.s8 v60  }
0x58: {  	v62 =	vimm.s32 $0x67452301  }
0x59: {  	v1 =	vperm.xlane v0, v58;
	v2 =	vunpack.c.0.s8.s32 v2;
	v3 =	vunpack.c.0.s8.s32 v3  }
0x5a: {  	v61 =	vimm.s32 $0xEFCDAB89;
	v63 =	vunpack.c.l.s4.s8 v62  }
0x5b: {  	v0 =	vadd.f32 v0, v1;
	v2 =	vcombine.low v3, v2;
	v1 =	vunpack.c.l.s4.s8 v61;
	_ =	sdelay $0x1  }
0x5c: {  	v3 =	vunpack.c.0.s8.s32 v63;
	v2 =	vperm.xlane v0, v2;
	v1 =	vunpack.c.0.s8.s32 v1;
	_ =	sdelay $0x1  }
0x5d: {  	v0 =	vadd.f32 v0, v2;
	v1 =	vcombine.low v3, v1;
	_ =	sdelay $0x1  }
0x5e: {  	v1 =	vperm.xlane v0, v1;
	_ =	sdelay $0x1  }
0x5f: {  	v0 =	vadd.f32 v0, v1;
	_ =	sdelay $0x1  }
0x60: {  	v0 =	vadd.f32 $1.000000000e+00, v0;
	_ =	sdelay $0x1  }
0x61: {  	v0 =	vmax.f32 v0, $0.0e+00  }
0x62: {  	s31 =	simm.s32 $0x500;
	[tilespmem:$0x500] =	vst v0  }
0x63: {  	[hbm4b:s1+s2] =	stream.linear.scatter [tilespmem:s31], [sflag:$0x3], $0x1, $0x38;
	[tilespmem:$0x580] =	vst v63  }
0x64: {  	_ =	swait.ge [sflag:s29], $0x1  }
0x65: {  	[sflag:s29] =	ssyncset.done $0x0  }
0x66: {  	[sflag:s29] =	ssyncadd.s32 $0xFFFFFFFF  }
.LBB2_2:
0x67: {  	_ =	sfence.sel $0x180000  }
0x68: {  	[bflag:$0x0] =	sbarrier.arrive $0xFFFF  }
0x69: {  	_ =	strace $0x90000047  }
0x6a: {  	s0 =	sadd.s32 @!p0 $0x100000, s0;
	[bflag:$0x2] =	sbarrier.arrive $0xFFFF  }
0x6b: {  	[sflag:s0] =	ssyncadd.tile.s32 @!p0 $0x1;
	_ =	shalt  }
.Lfunc_end2:
_tile_overlayer_lowered:
.L_overlay_start_2:
0x6c: {  	(tag) =	ssettag $0x2  }
0x6d: {  	s0 =	rddreg [dreg:$0x0];
	s2 =	stileid.u32  }
0x6e: {  	s1 =	rddreg [dreg:$0x1];
	p0 =	sne.s32 s2, $0x0  }
0x6f: {  	s3 =	rddreg [dreg:$0x2];
	[bflag:$0x3] =	sbarrier.arrive $0xFFFF;
	s2 =	simm.s32 @!p0 $0x1C03  }
0x70: {  	[timem:s3], [sflag:s2] =	dma.local @!p0 [hbm:s0], s1  }
0x71: {  	s0 =	simm.s32 @!p0 $0x3  }
0x72: {  	_ =	swait.ge @!p0 [sflag:s0], s1  }
0x73: {  	s1 =	ssub.s32 @!p0 $0x0, s1;
	[sflag:s0] =	ssyncset.done @!p0 $0x0  }
0x74: {  	[sflag:s0] =	ssyncadd.s32 @!p0 s1  }
0x75: {  	[bflag:$0x3] =	sbarrier.arrive $0xFFFF  }
0x76: {  	_ =	shalt  }

</sc_bundles>
